<compile_context>
chip_gen: v7x
topology: tpu7x:2x2x1
jax: 0.10.2.dev20260603
libtpu: 0.0.44.dev20260713+nightly
codegen_flags: <defaults>
</compile_context>

<pallas_src>
import jax
import jax.numpy as jnp
from jax.experimental import pallas as pl
from jax.experimental.pallas import tpu as pltpu

_NE = 64
_CAP = 128
_T = 128
_NW = _NE * _CAP // 32


def _gate_kernel(ids_ref, valid_ref, combine_ref, words_ref, counts_ref):
    g = pl.program_id(0)

    @pl.when(g == 0)
    def _():
        for e in range(_NE):
            counts_ref[e] = 0

    e_iota = jax.lax.broadcasted_iota(jnp.int32, (_NE, _CAP), 0)
    c_iota = jax.lax.broadcasted_iota(jnp.int32, (_NE, _CAP), 1)
    flat_iota = e_iota * _CAP + c_iota
    w_iota = jax.lax.broadcasted_iota(jnp.int32, (1, _NW), 1)

    def body(i, _):
        t = g * _T + i
        e = ids_ref[t]
        v = valid_ref[t]
        cnt = counts_ref[e]
        counts_ref[e] = cnt + v
        kept = (v == 1) & (cnt < _CAP)
        tgt = jnp.where(kept, e * _CAP + cnt, -1)
        slab = flat_iota == tgt
        combine_ref[i] = slab.astype(jnp.float32)
        word = jnp.where(w_iota == (tgt >> 5), 1 << (tgt & 31), 0)
        words_ref[pl.ds(i, 1), :] = word
        return 0

    jax.lax.fori_loop(0, _T, body, 0)


def kernel(input, mask, domain_ids):
    n_tokens = input.shape[0]
    grid = n_tokens // _T
    ids = domain_ids.astype(jnp.int32)
    valid = jnp.logical_not(mask).astype(jnp.int32)

    combine, words = pl.pallas_call(
        _gate_kernel,
        grid=(grid,),
        in_specs=[
            pl.BlockSpec(memory_space=pltpu.SMEM),
            pl.BlockSpec(memory_space=pltpu.SMEM),
        ],
        out_specs=[
            pl.BlockSpec((_T, _NE, _CAP), lambda g: (g, 0, 0)),
            pl.BlockSpec((_T, _NW), lambda g: (g, 0)),
        ],
        out_shape=[
            jax.ShapeDtypeStruct((n_tokens, _NE, _CAP), jnp.float32),
            jax.ShapeDtypeStruct((n_tokens, _NW), jnp.int32),
        ],
        scratch_shapes=[pltpu.SMEM((_NE,), jnp.int32)],
    )(ids, valid)

    w4 = words.reshape(n_tokens, _NE, _CAP // 32, 1)
    bits = jax.lax.broadcasted_iota(jnp.int32, (1, 1, 1, 32), 3)
    dispatch = ((w4 >> bits) & 1).astype(jnp.bool_).reshape(n_tokens, _NE, _CAP)

    l_aux = jnp.zeros((), dtype=jnp.float32)
    return (l_aux, combine, dispatch)

# --- scband reference (transcript-rebuilt; emitter-appended) ---
"""Pipeline reference for scband-domain-gate-68908455297139 (READ-ONLY COPY).

The authoritative reference and input builder live on the scoring server;
editing this copy changes nothing except your own understanding.
"""

import math
import jax, jax.numpy as jnp
import numpy as np

NUM_EXPERTS = 64
N_TOKENS = 8192
D_MODEL = 1024


def setup_inputs(seed: int = 0) -> dict:
    key = jax.random.key(seed)
    k1, k2 = jax.random.split(key)
    input = jax.random.normal(k1, (N_TOKENS, D_MODEL), dtype=jnp.float32)
    mask = jnp.zeros((N_TOKENS,), dtype=bool)
    domain_ids = jax.random.randint(k2, (N_TOKENS,), 0, NUM_EXPERTS, dtype=jnp.int64 if jax.config.read('jax_enable_x64') else jnp.int32)
    return {"input": input, "mask": mask, "domain_ids": domain_ids}


def reference(input, mask, domain_ids):
    num_tokens = input.shape[0]
    num_experts = NUM_EXPERTS
    # one_hot(domain_ids.view(-1,1), num_experts) with integer dtype (matches torch scatter_ into zeros of indices.dtype)
    mask1 = jax.nn.one_hot(domain_ids, num_experts, dtype=jnp.int32)
    # mask1 = mask1 * (~mask).unsqueeze(-1)
    mask1 = mask1 * jnp.logical_not(mask)[:, None].astype(jnp.int32)
    # fused_cumsum_sub_one
    locations1 = jnp.cumsum(mask1, axis=0) - 1
    capacity = math.ceil(num_tokens / num_experts)
    # drop tokens beyond capacity
    mask1 = mask1 * (locations1 < capacity).astype(jnp.int32)
    locations1_s = jnp.sum(locations1 * mask1, axis=1)
    gates1_s = jnp.ones((num_tokens,), dtype=jnp.float32)
    gates1 = gates1_s[:, None] * mask1.astype(jnp.float32)
    locations1_sc = jax.nn.one_hot(locations1_s, capacity, dtype=jnp.float32)
    # torch.bmm(gates1.unsqueeze(-1), locations1_sc.unsqueeze(1)) -> outer product per token
    combine1_sec = jnp.einsum('ne,nc->nec', gates1, locations1_sc)
    dispatch_mask = combine1_sec.astype(bool)
    l_aux = jnp.array(0.0, dtype=jnp.float32)
    return (l_aux, combine1_sec, dispatch_mask)

if __name__ == "__main__":
    import jax
    _d = setup_inputs()
    print(jax.jit(kernel)(*tuple(_d.values())))

</pallas_src>

<mosaic_0001>
module attributes {stable_mosaic.version = 14 : i64} {
  func.func @_gate_kernel(%arg0: i32, %arg1: memref<8192xi32, #tpu.memory_space<smem>>, %arg2: memref<8192xi32, #tpu.memory_space<smem>>, %arg3: memref<128x64x128xf32, #tpu.memory_space<vmem>>, %arg4: memref<128x256xi32, #tpu.memory_space<vmem>>, %arg5: memref<64xi32, #tpu.memory_space<smem>>) attributes {dimension_semantics = [#tpu.dimension_semantics<arbitrary>], iteration_bounds = array<i64: 64>, scalar_prefetch = 0 : i64, scratch_operands = 1 : i64, tpu.core_type = #tpu.core_type<tc>, window_params = [{transform_indices = @transform_0, window_bounds = array<i64: 8192>}, {transform_indices = @transform_1, window_bounds = array<i64: 8192>}, {transform_indices = @transform_2, window_bounds = array<i64: 128, 64, 128>}, {transform_indices = @transform_3, window_bounds = array<i64: 128, 256>}]} {
    %eq3A = arith.constant 0 : i32
    %eq3A_0 = arith.cmpi eq, %arg0, %eq3A : i32
    %convert_element_type3A = arith.extui %eq3A_0 : i1 to i32
    %cond3A = arith.constant 0 : i32
    %cond3A_1 = arith.cmpi ne, %convert_element_type3A, %cond3A : i32
    scf.if %cond3A_1 {
      %swap3A = arith.constant 0 : i32
      %swap3A_10 = arith.constant 0 : index
      %swap3A_11 = memref.load %arg5[%swap3A_10] : memref<64xi32, #tpu.memory_space<smem>>
      memref.store %swap3A, %arg5[%swap3A_10] : memref<64xi32, #tpu.memory_space<smem>>
      %swap3A_12 = arith.constant 0 : i32
      %swap3A_13 = arith.constant 1 : index
      %swap3A_14 = memref.load %arg5[%swap3A_13] : memref<64xi32, #tpu.memory_space<smem>>
      memref.store %swap3A_12, %arg5[%swap3A_13] : memref<64xi32, #tpu.memory_space<smem>>
      %swap3A_15 = arith.constant 0 : i32
      %swap3A_16 = arith.constant 2 : index
      %swap3A_17 = memref.load %arg5[%swap3A_16] : memref<64xi32, #tpu.memory_space<smem>>
      memref.store %swap3A_15, %arg5[%swap3A_16] : memref<64xi32, #tpu.memory_space<smem>>
      %swap3A_18 = arith.constant 0 : i32
      %swap3A_19 = arith.constant 3 : index
      %swap3A_20 = memref.load %arg5[%swap3A_19] : memref<64xi32, #tpu.memory_space<smem>>
      memref.store %swap3A_18, %arg5[%swap3A_19] : memref<64xi32, #tpu.memory_space<smem>>
      %swap3A_21 = arith.constant 0 : i32
      %swap3A_22 = arith.constant 4 : index
      %swap3A_23 = memref.load %arg5[%swap3A_22] : memref<64xi32, #tpu.memory_space<smem>>
      memref.store %swap3A_21, %arg5[%swap3A_22] : memref<64xi32, #tpu.memory_space<smem>>
      %swap3A_24 = arith.constant 0 : i32
      %swap3A_25 = arith.constant 5 : index
      %swap3A_26 = memref.load %arg5[%swap3A_25] : memref<64xi32, #tpu.memory_space<smem>>
      memref.store %swap3A_24, %arg5[%swap3A_25] : memref<64xi32, #tpu.memory_space<smem>>
      %swap3A_27 = arith.constant 0 : i32
      %swap3A_28 = arith.constant 6 : index
      %swap3A_29 = memref.load %arg5[%swap3A_28] : memref<64xi32, #tpu.memory_space<smem>>
      memref.store %swap3A_27, %arg5[%swap3A_28] : memref<64xi32, #tpu.memory_space<smem>>
      %swap3A_30 = arith.constant 0 : i32
      %swap3A_31 = arith.constant 7 : index
      %swap3A_32 = memref.load %arg5[%swap3A_31] : memref<64xi32, #tpu.memory_space<smem>>
      memref.store %swap3A_30, %arg5[%swap3A_31] : memref<64xi32, #tpu.memory_space<smem>>
      %swap3A_33 = arith.constant 0 : i32
      %swap3A_34 = arith.constant 8 : index
      %swap3A_35 = memref.load %arg5[%swap3A_34] : memref<64xi32, #tpu.memory_space<smem>>
      memref.store %swap3A_33, %arg5[%swap3A_34] : memref<64xi32, #tpu.memory_space<smem>>
      %swap3A_36 = arith.constant 0 : i32
      %swap3A_37 = arith.constant 9 : index
      %swap3A_38 = memref.load %arg5[%swap3A_37] : memref<64xi32, #tpu.memory_space<smem>>
      memref.store %swap3A_36, %arg5[%swap3A_37] : memref<64xi32, #tpu.memory_space<smem>>
      %swap3A_39 = arith.constant 0 : i32
      %swap3A_40 = arith.constant 10 : index
      %swap3A_41 = memref.load %arg5[%swap3A_40] : memref<64xi32, #tpu.memory_space<smem>>
      memref.store %swap3A_39, %arg5[%swap3A_40] : memref<64xi32, #tpu.memory_space<smem>>
      %swap3A_42 = arith.constant 0 : i32
      %swap3A_43 = arith.constant 11 : index
      %swap3A_44 = memref.load %arg5[%swap3A_43] : memref<64xi32, #tpu.memory_space<smem>>
      memref.store %swap3A_42, %arg5[%swap3A_43] : memref<64xi32, #tpu.memory_space<smem>>
      %swap3A_45 = arith.constant 0 : i32
      %swap3A_46 = arith.constant 12 : index
      %swap3A_47 = memref.load %arg5[%swap3A_46] : memref<64xi32, #tpu.memory_space<smem>>
      memref.store %swap3A_45, %arg5[%swap3A_46] : memref<64xi32, #tpu.memory_space<smem>>
      %swap3A_48 = arith.constant 0 : i32
      %swap3A_49 = arith.constant 13 : index
      %swap3A_50 = memref.load %arg5[%swap3A_49] : memref<64xi32, #tpu.memory_space<smem>>
      memref.store %swap3A_48, %arg5[%swap3A_49] : memref<64xi32, #tpu.memory_space<smem>>
      %swap3A_51 = arith.constant 0 : i32
      %swap3A_52 = arith.constant 14 : index
      %swap3A_53 = memref.load %arg5[%swap3A_52] : memref<64xi32, #tpu.memory_space<smem>>
      memref.store %swap3A_51, %arg5[%swap3A_52] : memref<64xi32, #tpu.memory_space<smem>>
      %swap3A_54 = arith.constant 0 : i32
      %swap3A_55 = arith.constant 15 : index
      %swap3A_56 = memref.load %arg5[%swap3A_55] : memref<64xi32, #tpu.memory_space<smem>>
      memref.store %swap3A_54, %arg5[%swap3A_55] : memref<64xi32, #tpu.memory_space<smem>>
      %swap3A_57 = arith.constant 0 : i32
      %swap3A_58 = arith.constant 16 : index
      %swap3A_59 = memref.load %arg5[%swap3A_58] : memref<64xi32, #tpu.memory_space<smem>>
      memref.store %swap3A_57, %arg5[%swap3A_58] : memref<64xi32, #tpu.memory_space<smem>>
      %swap3A_60 = arith.constant 0 : i32
      %swap3A_61 = arith.constant 17 : index
      %swap3A_62 = memref.load %arg5[%swap3A_61] : memref<64xi32, #tpu.memory_space<smem>>
      memref.store %swap3A_60, %arg5[%swap3A_61] : memref<64xi32, #tpu.memory_space<smem>>
      %swap3A_63 = arith.constant 0 : i32
      %swap3A_64 = arith.constant 18 : index
      %swap3A_65 = memref.load %arg5[%swap3A_64] : memref<64xi32, #tpu.memory_space<smem>>
      memref.store %swap3A_63, %arg5[%swap3A_64] : memref<64xi32, #tpu.memory_space<smem>>
      %swap3A_66 = arith.constant 0 : i32
      %swap3A_67 = arith.constant 19 : index
      %swap3A_68 = memref.load %arg5[%swap3A_67] : memref<64xi32, #tpu.memory_space<smem>>
      memref.store %swap3A_66, %arg5[%swap3A_67] : memref<64xi32, #tpu.memory_space<smem>>
      %swap3A_69 = arith.constant 0 : i32
      %swap3A_70 = arith.constant 20 : index
      %swap3A_71 = memref.load %arg5[%swap3A_70] : memref<64xi32, #tpu.memory_space<smem>>
      memref.store %swap3A_69, %arg5[%swap3A_70] : memref<64xi32, #tpu.memory_space<smem>>
      %swap3A_72 = arith.constant 0 : i32
      %swap3A_73 = arith.constant 21 : index
      %swap3A_74 = memref.load %arg5[%swap3A_73] : memref<64xi32, #tpu.memory_space<smem>>
      memref.store %swap3A_72, %arg5[%swap3A_73] : memref<64xi32, #tpu.memory_space<smem>>
      %swap3A_75 = arith.constant 0 : i32
      %swap3A_76 = arith.constant 22 : index
      %swap3A_77 = memref.load %arg5[%swap3A_76] : memref<64xi32, #tpu.memory_space<smem>>
      memref.store %swap3A_75, %arg5[%swap3A_76] : memref<64xi32, #tpu.memory_space<smem>>
      %swap3A_78 = arith.constant 0 : i32
      %swap3A_79 = arith.constant 23 : index
      %swap3A_80 = memref.load %arg5[%swap3A_79] : memref<64xi32, #tpu.memory_space<smem>>
      memref.store %swap3A_78, %arg5[%swap3A_79] : memref<64xi32, #tpu.memory_space<smem>>
      %swap3A_81 = arith.constant 0 : i32
      %swap3A_82 = arith.constant 24 : index
      %swap3A_83 = memref.load %arg5[%swap3A_82] : memref<64xi32, #tpu.memory_space<smem>>
      memref.store %swap3A_81, %arg5[%swap3A_82] : memref<64xi32, #tpu.memory_space<smem>>
      %swap3A_84 = arith.constant 0 : i32
      %swap3A_85 = arith.constant 25 : index
      %swap3A_86 = memref.load %arg5[%swap3A_85] : memref<64xi32, #tpu.memory_space<smem>>
      memref.store %swap3A_84, %arg5[%swap3A_85] : memref<64xi32, #tpu.memory_space<smem>>
      %swap3A_87 = arith.constant 0 : i32
      %swap3A_88 = arith.constant 26 : index
      %swap3A_89 = memref.load %arg5[%swap3A_88] : memref<64xi32, #tpu.memory_space<smem>>
      memref.store %swap3A_87, %arg5[%swap3A_88] : memref<64xi32, #tpu.memory_space<smem>>
      %swap3A_90 = arith.constant 0 : i32
      %swap3A_91 = arith.constant 27 : index
      %swap3A_92 = memref.load %arg5[%swap3A_91] : memref<64xi32, #tpu.memory_space<smem>>
      memref.store %swap3A_90, %arg5[%swap3A_91] : memref<64xi32, #tpu.memory_space<smem>>
      %swap3A_93 = arith.constant 0 : i32
      %swap3A_94 = arith.constant 28 : index
      %swap3A_95 = memref.load %arg5[%swap3A_94] : memref<64xi32, #tpu.memory_space<smem>>
      memref.store %swap3A_93, %arg5[%swap3A_94] : memref<64xi32, #tpu.memory_space<smem>>
      %swap3A_96 = arith.constant 0 : i32
      %swap3A_97 = arith.constant 29 : index
      %swap3A_98 = memref.load %arg5[%swap3A_97] : memref<64xi32, #tpu.memory_space<smem>>
      memref.store %swap3A_96, %arg5[%swap3A_97] : memref<64xi32, #tpu.memory_space<smem>>
      %swap3A_99 = arith.constant 0 : i32
      %swap3A_100 = arith.constant 30 : index
      %swap3A_101 = memref.load %arg5[%swap3A_100] : memref<64xi32, #tpu.memory_space<smem>>
      memref.store %swap3A_99, %arg5[%swap3A_100] : memref<64xi32, #tpu.memory_space<smem>>
      %swap3A_102 = arith.constant 0 : i32
      %swap3A_103 = arith.constant 31 : index
      %swap3A_104 = memref.load %arg5[%swap3A_103] : memref<64xi32, #tpu.memory_space<smem>>
      memref.store %swap3A_102, %arg5[%swap3A_103] : memref<64xi32, #tpu.memory_space<smem>>
      %swap3A_105 = arith.constant 0 : i32
      %swap3A_106 = arith.constant 32 : index
      %swap3A_107 = memref.load %arg5[%swap3A_106] : memref<64xi32, #tpu.memory_space<smem>>
      memref.store %swap3A_105, %arg5[%swap3A_106] : memref<64xi32, #tpu.memory_space<smem>>
      %swap3A_108 = arith.constant 0 : i32
      %swap3A_109 = arith.constant 33 : index
      %swap3A_110 = memref.load %arg5[%swap3A_109] : memref<64xi32, #tpu.memory_space<smem>>
      memref.store %swap3A_108, %arg5[%swap3A_109] : memref<64xi32, #tpu.memory_space<smem>>
      %swap3A_111 = arith.constant 0 : i32
      %swap3A_112 = arith.constant 34 : index
      %swap3A_113 = memref.load %arg5[%swap3A_112] : memref<64xi32, #tpu.memory_space<smem>>
      memref.store %swap3A_111, %arg5[%swap3A_112] : memref<64xi32, #tpu.memory_space<smem>>
      %swap3A_114 = arith.constant 0 : i32
      %swap3A_115 = arith.constant 35 : index
      %swap3A_116 = memref.load %arg5[%swap3A_115] : memref<64xi32, #tpu.memory_space<smem>>
      memref.store %swap3A_114, %arg5[%swap3A_115] : memref<64xi32, #tpu.memory_space<smem>>
      %swap3A_117 = arith.constant 0 : i32
      %swap3A_118 = arith.constant 36 : index
      %swap3A_119 = memref.load %arg5[%swap3A_118] : memref<64xi32, #tpu.memory_space<smem>>
      memref.store %swap3A_117, %arg5[%swap3A_118] : memref<64xi32, #tpu.memory_space<smem>>
      %swap3A_120 = arith.constant 0 : i32
      %swap3A_121 = arith.constant 37 : index
      %swap3A_122 = memref.load %arg5[%swap3A_121] : memref<64xi32, #tpu.memory_space<smem>>
      memref.store %swap3A_120, %arg5[%swap3A_121] : memref<64xi32, #tpu.memory_space<smem>>
      %swap3A_123 = arith.constant 0 : i32
      %swap3A_124 = arith.constant 38 : index
      %swap3A_125 = memref.load %arg5[%swap3A_124] : memref<64xi32, #tpu.memory_space<smem>>
      memref.store %swap3A_123, %arg5[%swap3A_124] : memref<64xi32, #tpu.memory_space<smem>>
      %swap3A_126 = arith.constant 0 : i32
      %swap3A_127 = arith.constant 39 : index
      %swap3A_128 = memref.load %arg5[%swap3A_127] : memref<64xi32, #tpu.memory_space<smem>>
      memref.store %swap3A_126, %arg5[%swap3A_127] : memref<64xi32, #tpu.memory_space<smem>>
      %swap3A_129 = arith.constant 0 : i32
      %swap3A_130 = arith.constant 40 : index
      %swap3A_131 = memref.load %arg5[%swap3A_130] : memref<64xi32, #tpu.memory_space<smem>>
      memref.store %swap3A_129, %arg5[%swap3A_130] : memref<64xi32, #tpu.memory_space<smem>>
      %swap3A_132 = arith.constant 0 : i32
      %swap3A_133 = arith.constant 41 : index
      %swap3A_134 = memref.load %arg5[%swap3A_133] : memref<64xi32, #tpu.memory_space<smem>>
      memref.store %swap3A_132, %arg5[%swap3A_133] : memref<64xi32, #tpu.memory_space<smem>>
      %swap3A_135 = arith.constant 0 : i32
      %swap3A_136 = arith.constant 42 : index
      %swap3A_137 = memref.load %arg5[%swap3A_136] : memref<64xi32, #tpu.memory_space<smem>>
      memref.store %swap3A_135, %arg5[%swap3A_136] : memref<64xi32, #tpu.memory_space<smem>>
      %swap3A_138 = arith.constant 0 : i32
      %swap3A_139 = arith.constant 43 : index
      %swap3A_140 = memref.load %arg5[%swap3A_139] : memref<64xi32, #tpu.memory_space<smem>>
      memref.store %swap3A_138, %arg5[%swap3A_139] : memref<64xi32, #tpu.memory_space<smem>>
      %swap3A_141 = arith.constant 0 : i32
      %swap3A_142 = arith.constant 44 : index
      %swap3A_143 = memref.load %arg5[%swap3A_142] : memref<64xi32, #tpu.memory_space<smem>>
      memref.store %swap3A_141, %arg5[%swap3A_142] : memref<64xi32, #tpu.memory_space<smem>>
      %swap3A_144 = arith.constant 0 : i32
      %swap3A_145 = arith.constant 45 : index
      %swap3A_146 = memref.load %arg5[%swap3A_145] : memref<64xi32, #tpu.memory_space<smem>>
      memref.store %swap3A_144, %arg5[%swap3A_145] : memref<64xi32, #tpu.memory_space<smem>>
      %swap3A_147 = arith.constant 0 : i32
      %swap3A_148 = arith.constant 46 : index
      %swap3A_149 = memref.load %arg5[%swap3A_148] : memref<64xi32, #tpu.memory_space<smem>>
      memref.store %swap3A_147, %arg5[%swap3A_148] : memref<64xi32, #tpu.memory_space<smem>>
      %swap3A_150 = arith.constant 0 : i32
      %swap3A_151 = arith.constant 47 : index
      %swap3A_152 = memref.load %arg5[%swap3A_151] : memref<64xi32, #tpu.memory_space<smem>>
      memref.store %swap3A_150, %arg5[%swap3A_151] : memref<64xi32, #tpu.memory_space<smem>>
      %swap3A_153 = arith.constant 0 : i32
      %swap3A_154 = arith.constant 48 : index
      %swap3A_155 = memref.load %arg5[%swap3A_154] : memref<64xi32, #tpu.memory_space<smem>>
      memref.store %swap3A_153, %arg5[%swap3A_154] : memref<64xi32, #tpu.memory_space<smem>>
      %swap3A_156 = arith.constant 0 : i32
      %swap3A_157 = arith.constant 49 : index
      %swap3A_158 = memref.load %arg5[%swap3A_157] : memref<64xi32, #tpu.memory_space<smem>>
      memref.store %swap3A_156, %arg5[%swap3A_157] : memref<64xi32, #tpu.memory_space<smem>>
      %swap3A_159 = arith.constant 0 : i32
      %swap3A_160 = arith.constant 50 : index
      %swap3A_161 = memref.load %arg5[%swap3A_160] : memref<64xi32, #tpu.memory_space<smem>>
      memref.store %swap3A_159, %arg5[%swap3A_160] : memref<64xi32, #tpu.memory_space<smem>>
      %swap3A_162 = arith.constant 0 : i32
      %swap3A_163 = arith.constant 51 : index
      %swap3A_164 = memref.load %arg5[%swap3A_163] : memref<64xi32, #tpu.memory_space<smem>>
      memref.store %swap3A_162, %arg5[%swap3A_163] : memref<64xi32, #tpu.memory_space<smem>>
      %swap3A_165 = arith.constant 0 : i32
      %swap3A_166 = arith.constant 52 : index
      %swap3A_167 = memref.load %arg5[%swap3A_166] : memref<64xi32, #tpu.memory_space<smem>>
      memref.store %swap3A_165, %arg5[%swap3A_166] : memref<64xi32, #tpu.memory_space<smem>>
      %swap3A_168 = arith.constant 0 : i32
      %swap3A_169 = arith.constant 53 : index
      %swap3A_170 = memref.load %arg5[%swap3A_169] : memref<64xi32, #tpu.memory_space<smem>>
      memref.store %swap3A_168, %arg5[%swap3A_169] : memref<64xi32, #tpu.memory_space<smem>>
      %swap3A_171 = arith.constant 0 : i32
      %swap3A_172 = arith.constant 54 : index
      %swap3A_173 = memref.load %arg5[%swap3A_172] : memref<64xi32, #tpu.memory_space<smem>>
      memref.store %swap3A_171, %arg5[%swap3A_172] : memref<64xi32, #tpu.memory_space<smem>>
      %swap3A_174 = arith.constant 0 : i32
      %swap3A_175 = arith.constant 55 : index
      %swap3A_176 = memref.load %arg5[%swap3A_175] : memref<64xi32, #tpu.memory_space<smem>>
      memref.store %swap3A_174, %arg5[%swap3A_175] : memref<64xi32, #tpu.memory_space<smem>>
      %swap3A_177 = arith.constant 0 : i32
      %swap3A_178 = arith.constant 56 : index
      %swap3A_179 = memref.load %arg5[%swap3A_178] : memref<64xi32, #tpu.memory_space<smem>>
      memref.store %swap3A_177, %arg5[%swap3A_178] : memref<64xi32, #tpu.memory_space<smem>>
      %swap3A_180 = arith.constant 0 : i32
      %swap3A_181 = arith.constant 57 : index
      %swap3A_182 = memref.load %arg5[%swap3A_181] : memref<64xi32, #tpu.memory_space<smem>>
      memref.store %swap3A_180, %arg5[%swap3A_181] : memref<64xi32, #tpu.memory_space<smem>>
      %swap3A_183 = arith.constant 0 : i32
      %swap3A_184 = arith.constant 58 : index
      %swap3A_185 = memref.load %arg5[%swap3A_184] : memref<64xi32, #tpu.memory_space<smem>>
      memref.store %swap3A_183, %arg5[%swap3A_184] : memref<64xi32, #tpu.memory_space<smem>>
      %swap3A_186 = arith.constant 0 : i32
      %swap3A_187 = arith.constant 59 : index
      %swap3A_188 = memref.load %arg5[%swap3A_187] : memref<64xi32, #tpu.memory_space<smem>>
      memref.store %swap3A_186, %arg5[%swap3A_187] : memref<64xi32, #tpu.memory_space<smem>>
      %swap3A_189 = arith.constant 0 : i32
      %swap3A_190 = arith.constant 60 : index
      %swap3A_191 = memref.load %arg5[%swap3A_190] : memref<64xi32, #tpu.memory_space<smem>>
      memref.store %swap3A_189, %arg5[%swap3A_190] : memref<64xi32, #tpu.memory_space<smem>>
      %swap3A_192 = arith.constant 0 : i32
      %swap3A_193 = arith.constant 61 : index
      %swap3A_194 = memref.load %arg5[%swap3A_193] : memref<64xi32, #tpu.memory_space<smem>>
      memref.store %swap3A_192, %arg5[%swap3A_193] : memref<64xi32, #tpu.memory_space<smem>>
      %swap3A_195 = arith.constant 0 : i32
      %swap3A_196 = arith.constant 62 : index
      %swap3A_197 = memref.load %arg5[%swap3A_196] : memref<64xi32, #tpu.memory_space<smem>>
      memref.store %swap3A_195, %arg5[%swap3A_196] : memref<64xi32, #tpu.memory_space<smem>>
      %swap3A_198 = arith.constant 0 : i32
      %swap3A_199 = arith.constant 63 : index
      %swap3A_200 = memref.load %arg5[%swap3A_199] : memref<64xi32, #tpu.memory_space<smem>>
      memref.store %swap3A_198, %arg5[%swap3A_199] : memref<64xi32, #tpu.memory_space<smem>>
    } else {
    }
    %iota3A = tpu.iota {dimensions = array<i32: 0>} : vector<64x128xi32>
    %iota3A_2 = tpu.iota {dimensions = array<i32: 1>} : vector<64x128xi32>
    %mul3A = arith.constant 128 : i32
    %mul3A_3 = vector.broadcast %mul3A : i32 to vector<64x128xi32>
    %mul3A_4 = arith.muli %iota3A, %mul3A_3 : vector<64x128xi32>
    %add3A = arith.addi %mul3A_4, %iota3A_2 : vector<64x128xi32>
    %iota3A_5 = tpu.iota {dimensions = array<i32: 1>} : vector<1x256xi32>
    %scan3A = arith.constant 0 : i32
    %scan3A_6 = arith.constant 128 : i32
    %scan3A_7 = arith.addi %scan3A, %scan3A_6 : i32
    %scan3A_8 = arith.constant 1 : i32
    scf.for %scan3A_10 = %scan3A to %scan3A_7 step %scan3A_8  : i32 {
      %mul3A_11 = arith.constant 128 : i32
      %mul3A_12 = arith.muli %arg0, %mul3A_11 : i32
      %add3A_13 = arith.addi %mul3A_12, %scan3A_10 : i32
      %get3A = arith.index_cast %add3A_13 : i32 to index
      %get3A_14 = memref.load %arg1[%get3A] : memref<8192xi32, #tpu.memory_space<smem>>
      %get3A_15 = arith.index_cast %add3A_13 : i32 to index
      %get3A_16 = memref.load %arg2[%get3A_15] : memref<8192xi32, #tpu.memory_space<smem>>
      %get3A_17 = arith.index_cast %get3A_14 : i32 to index
      %get3A_18 = memref.load %arg5[%get3A_17] : memref<64xi32, #tpu.memory_space<smem>>
      %add3A_19 = arith.addi %get3A_18, %get3A_16 : i32
      %swap3A = arith.index_cast %get3A_14 : i32 to index
      %swap3A_20 = memref.load %arg5[%swap3A] : memref<64xi32, #tpu.memory_space<smem>>
      memref.store %add3A_19, %arg5[%swap3A] : memref<64xi32, #tpu.memory_space<smem>>
      %eq3A_21 = arith.constant 1 : i32
      %eq3A_22 = arith.cmpi eq, %get3A_16, %eq3A_21 : i32
      %lt3A = arith.constant 128 : i32
      %lt3A_23 = arith.cmpi slt, %get3A_18, %lt3A : i32
      %and3A = arith.andi %eq3A_22, %lt3A_23 : i1
      %mul3A_24 = arith.constant 128 : i32
      %mul3A_25 = arith.muli %get3A_14, %mul3A_24 : i32
      %add3A_26 = arith.addi %mul3A_25, %get3A_18 : i32
      %jit3A = arith.constant -1 : i32
      %select_n3A = arith.select %and3A, %add3A_26, %jit3A : i32
      %eq3A_27 = vector.broadcast %select_n3A : i32 to vector<64x128xi32>
      %eq3A_28 = arith.cmpi eq, %add3A, %eq3A_27 : vector<64x128xi32>
      %convert_element_type3A_29 = arith.extui %eq3A_28 : vector<64x128xi1> to vector<64x128xi32>
      %convert_element_type3A_30 = arith.sitofp %convert_element_type3A_29 : vector<64x128xi32> to vector<64x128xf32>
      %swap3A_31 = arith.index_cast %scan3A_10 : i32 to index
      %swap3A_32 = arith.constant 0 : index
      %swap3A_33 = arith.constant 0 : index
      %swap3A_34 = vector.load %arg3[%swap3A_31, %swap3A_32, %swap3A_33] : memref<128x64x128xf32, #tpu.memory_space<vmem>>, vector<1x64x128xf32>
      %swap3A_35 = vector.shape_cast %swap3A_34 : vector<1x64x128xf32> to vector<64x128xf32>
      %swap3A_36 = vector.shape_cast %convert_element_type3A_30 : vector<64x128xf32> to vector<1x64x128xf32>
      tpu.vector_store %arg3[%swap3A_31, %swap3A_32, %swap3A_33], %swap3A_36 {strides = array<i32>} : memref<128x64x128xf32, #tpu.memory_space<vmem>>, vector<1x64x128xf32>,
      %shift_right_arithmetic3A = arith.constant 5 : i32
      %shift_right_arithmetic3A_37 = arith.shrsi %select_n3A, %shift_right_arithmetic3A : i32
      %eq3A_38 = vector.broadcast %shift_right_arithmetic3A_37 : i32 to vector<1x256xi32>
      %eq3A_39 = arith.cmpi eq, %iota3A_5, %eq3A_38 : vector<1x256xi32>
      %and3A_40 = arith.constant 31 : i32
      %and3A_41 = arith.andi %select_n3A, %and3A_40 : i32
      %shift_left3A = arith.constant 1 : i32
      %shift_left3A_42 = arith.shli %shift_left3A, %and3A_41 : i32
      %jit3A_43 = arith.constant 0 : i32
      %broadcast_in_dim3A = vector.broadcast %shift_left3A_42 : i32 to vector<1x256xi32>
      %broadcast_in_dim3A_44 = vector.broadcast %jit3A_43 : i32 to vector<1x256xi32>
      %select_n3A_45 = arith.select %eq3A_39, %broadcast_in_dim3A, %broadcast_in_dim3A_44 : vector<1x256xi1>, vector<1x256xi32>
      %swap3A_46 = arith.index_cast %scan3A_10 : i32 to index
      %swap3A_47 = arith.constant 0 : index
      %swap3A_48 = vector.load %arg4[%swap3A_46, %swap3A_47] : memref<128x256xi32, #tpu.memory_space<vmem>>, vector<1x256xi32>
      tpu.vector_store %arg4[%swap3A_46, %swap3A_47], %select_n3A_45 {strides = array<i32>} : memref<128x256xi32, #tpu.memory_space<vmem>>, vector<1x256xi32>,
    }
    %scan3A_9 = arith.constant 128 : i32
    return
  }
  func.func @transform_0(%arg0: i32) -> i32 {
    %c0_i32 = arith.constant 0 : i32
    %c0_i32_0 = arith.constant 0 : i32
    return %c0_i32 : i32
  }
  func.func @transform_1(%arg0: i32) -> i32 {
    %c0_i32 = arith.constant 0 : i32
    %c0_i32_0 = arith.constant 0 : i32
    return %c0_i32 : i32
  }
  func.func @transform_2(%arg0: i32) -> (i32, i32, i32) {
    %c0_i32 = arith.constant 0 : i32
    %c0_i32_0 = arith.constant 0 : i32
    %c0_i32_1 = arith.constant 0 : i32
    return %arg0, %c0_i32, %c0_i32_0 : i32, i32, i32
  }
  func.func @transform_3(%arg0: i32) -> (i32, i32) {
    %c0_i32 = arith.constant 0 : i32
    %c0_i32_0 = arith.constant 0 : i32
    return %arg0, %c0_i32 : i32, i32
  }
}

</mosaic_0001>

<sc_bundles>
// kernel: sparse-core-data-format-call.cloned.1.call-start
scs
called_computation_lowered:
.L_overlay_start_0:
0x0: {  	s2 =	sld [smem:$0x3FD9]  }
0x1: {  	s3 =	sld [smem:$0x3FFE];
	_ =	sdelay $0x1  }
0x2: {  	s1 =	srdreg.scid  }
0x3: {  	s0 =	sand.u32 $0x1, s1  }
0x4: {  	s15 =	sshll.u32 s0, $0xA;
	s2 =	sadd.s32 s3, s2  }
0x5: {  	s2 =	sadd.s32 s2, s15  }
0x6: {  	[smem:$0x3FC6] =	sst s2  }
0x7: {  	_ = 	snop  }
0x8: {  	s2 =	sld [smem:$0x3FD0];
	_ =	sdelay $0x2  }
0x9: {  	s16 =	simm.s32 $0xA;
	s4 =	simm.s32 $0x10  }
0xa: {  	[smem:s4], [sflag:s16] =	dma.local [hbm:s2], $0x1  }
0xb: {  	_ =	swait.eq [sflag:s16], $0x1  }
0xc: {  	[sflag:s16] =	ssyncset.done $0x0  }
0xd: {  	[sflag:s16] =	ssyncadd.s32 $0xFFFFFFFF  }
0xe: {  	s17 =	sld [smem:$0x12];
	(tm) =	ssettm $0x1  }
0xf: {  	s18 =	sld [smem:$0x3FFB];
	_ =	sdelay $0x3  }
0x10: {  	_ =	strace s18  }
0x11: {  	s3 =	sld [smem:$0x3FFC];
	_ =	sdelay $0x3  }
0x12: {  	_ =	strace s3  }
0x13: {  	s3 =	sld [smem:$0x3FFD];
	_ =	sdelay $0x3  }
0x14: {  	_ =	strace s3  }
0x15: {  	_ =	strace $0x8FFFFFFF  }
0x16: {  	s19 =	sld [smem:$0x3FDB];
	_ =	sdelay $0x1  }
0x17: {  	s20 =	simm.s32 $_scs_section_size  }
0x18: {  	s5 =	simm.s32 $_size__tile_overlayer_lowered;
	s6 =	simm.s32 $_tile_overlayer_lowered  }
0x19: {  	s23 =	simm.s32 $0x1BFF;
	s22 =	sshll.u32 s6, $0x1;
	s3 =	sadd.s32 s20, s19  }
0x1a: {  	s7 =	simm.s32 $0x0;
	s21 =	sshll.u32 s5, $0x1;
	s5 =	sadd.s32 s22, s3  }
0x1b: {  	[timem:s7], [sflag:s23] =	dma.local [hbm:s5], s21  }
0x1c: {  	_ =	swait.ge [sflag:s23], s21  }
0x1d: {  	s4 =	ssub.s32 $0x0, s21;
	[sflag:s23] =	ssyncset.done $0x0  }
0x1e: {  	[sflag:s23] =	ssyncadd.s32 s4;
	_ =	sdelay $0x1  }
0x1f: {  	s24 =	simm.s32 $0x1B8B  }
0x20: {  	_ =	swait.ge [sflag:s24], $0x1  }
0x21: {  	[sflag:s24] =	ssyncset.done $0x0  }
0x22: {  	s26 =	simm.s32 $0x1B8E;
	s25 =	sld [smem:$0x3FFE];
	[sflag:s24] =	ssyncadd.s32 $0xFFFFFFFF  }
0x23: {  	s27 =	simm.s32 $execute0_lowered;
	[smem:$0x3FD2] =	sst s26  }
0x24: {  	s5 =	sshll.u32 s27, $0x1;
	_ =	strace $0x80000046;
	[dreg:$0x1] =	wrdreg $0xFFFFFFFF  }
0x25: {  	s28 =	simm.s32 $_size_execute0_lowered;
	s3 =	sadd.s32 s3, s5;
	[dreg:$0x0] =	wrdreg $0x0  }
0x26: {  	s5 =	sshll.u32 s28, $0x1;
	[dreg:$0x2] =	wrdreg s3  }
0x27: {  	[dreg:$0x3] =	wrdreg s5  }
0x28: {  	[dreg:$0x4] =	wrdreg $0xC0  }
0x29: {  	_ =	task [dreg:s7], $0x5FFFF  }
0x2a: {  	[dreg:$0x1] =	wrdreg $0xFFFFFFFF  }
0x2b: {  	[dreg:$0x0] =	wrdreg $0x60  }
0x2c: {  	[dreg:$0x2] =	wrdreg s25  }
0x2d: {  	[dreg:$0x3] =	wrdreg s17  }
0x2e: {  	[dreg:$0x4] =	wrdreg $0x9  }
0x2f: {  	_ =	task.clear_ibuf [dreg:s7], $0x5FFFF;
	_ =	strace $0x90000046  }
0x30: {  	s29 =	simm.s32 $0x9;
	_ =	strace $0x80000048  }
0x31: {  	_ =	swait.ge [sflag:s29], $0x1  }
0x32: {  	[sflag:s29] =	ssyncadd.s32 $0xFFFFFFFF  }
0x33: {  	_ =	strace $0x90000048  }
0x34: {  	_ =	sfence  }
0x35: {  	s30 =	sld [smem:$0x0];
	_ =	sdelay $0x2  }
0x36: {  	s31 =	sshll.u32 s1, $0xD;
	s1 =	sshrl.u32 s1, $0x2  }
0x37: {  	s3 =	sand.u32 $0x4000, s31;
	s1 =	sadd.s32 s1, s30  }
0x38: {  	s0 =	sor.u32 s3, s0;
	s1 =	sshll.u32 s1, $0x11  }
0x39: {  	s0 =	sor.u32 s1, s0  }
0x3a: {  	s0 =	sadd.s32 $0x8F2B, s0  }
0x3b: {  	[sflag:s0] =	ssyncadd.remote.s32 $0x1  }
0x3c: {  	_ =	sfence.sel $0xFFFF  }
0x3d: {  	[dreg:$0x0] =	wrdreg $0xFFFFFFFF;
	(pc) =	sbr.abs _section_cstart, $3  }
0x3e: {  	[dreg:$0x1] =	wrdreg $0xFFFFFFFF  }
0x3f: {  	_ =	task.clear_ibuf [dreg:s7], $0x2FFFF;
	_ =	strace $0x9FFFFFFF  }
0x40: {  	(tm) =	ssettm $0x7FFFFFFF  }
0x41: {  	_ =	shalt  }
tec
execute0_lowered:
.L_overlay_start_1:
0x0: {  	(tag) =	ssettag $0x1  }
0x1: {  	s0 =	stileid.u32  }
0x2: {  	s2 =	srdreg.scid;
	s7 =	rddreg [dreg:$0x0];
	s8 =	simm.s32 $0x1  }
0x3: {  	s31 =	simm.s32 $0x2;
	s15 =	simm.s32 $0x0;
	s14 =	simm.s32 $0x0  }
0x4: {  	s16 =	simm.s32 $0x0;
	s11 =	simm.s32 $0x0;
	s13 =	simm.s32 $0x0  }
0x5: {  	s1 =	sshll.u32 s0, $0x2;
	s3 =	sshll.u32 s2, $0x7;
	s2 =	rddreg [dreg:$0x1]  }
0x6: {  	s7 =	sadd.s32 $0x800800, s7;
	s3 =	sand.u32 $0x80, s3;
	s4 =	ssub.s32 $0x40, s1  }
0x7: {  	s5 =	sshrl.u32 s4, $0x6;
	s4 =	sand.u32 $0x3C, s4;
	s6 =	ssub.s32 $0x2000, s3  }
0x8: {  	p0 =	sne.s32 s4, $0x0;
	s30 =	sshrl.u32 s6, $0x7;
	s6 =	sshrl.u32 s6, $0x8  }
.Ltmp0:
0x9: {  	s8 =	simm.s32 @!p0 $0x0;
	s9 =	sand.u32 $0x1, s30;
	(pc) =	sbr.rel .LBB1_1-.Ltmp0, $4  }
0xa: {  	s4 =	rddreg [dreg:$0x2];
	s8 =	sadd.s32 s8, s5;
	s6 =	sadd.s32 s6, s9  }
0xb: {  	_ =	strace $0x80000047;
	s5 =	simm.s32 $0x1;
	s6 =	smul.u32 s8, s6  }
0xc: {  	s12 =	smov.u32 s1;
	s10 =	smov.u32 s3;
	[sflag:s5] =	ssyncpa.u1 $0x0  }
0xd: {  	s9 =	simm.s32 $0x800;
	[sflag:s31] =	ssyncpa.u1 $0x0;
	s8 =	sadd.s32 $0x1, s6  }
.LBB1_7:
0xe: {  	s17 =	sadd.s32 $0x100, s10  }
0xf: {  	s14 =	sadd.s32 $0x80, s11;
	s18 =	smov.u32 s11;
	p1 =	sgt.s32 s17, $0x1FFF  }
0x10: {  	s18 =	smov.u32 @p1 s14  }
0x11: {  	s20 =	smov.u32 s12;
	s14 =	sadd.s32 $0x40, s12;
	p2 =	sgt.s32 s18, $0x7F  }
0x12: {  	s20 =	smov.u32 @p2 s14  }
0x13: {  	s17 =	smov.u32 @p1 s3;
	p1 =	sgt.s32 s20, $0x3F  }
0x14: {  	p0 =	slt.u32 s13, $0x2;
	s20 =	smov.u32 @p1 s1;
	p1 =	sne.s32 s13, s8  }
.Ltmp1:
0x15: {  	s19 =	simm.s32 @!p0 $0x2;
	(pc) =	sbr.rel @!p1 .LBB1_8-.Ltmp1, $4  }
0x16: {  	s15 =	smov.u32 s10;
	_ =	swait.ge @!p0 [sflag:s19], $0x4000  }
0x17: {  	s16 =	smov.u32 s12;
	[sflag:s19] =	ssyncset.done @!p0 $0x0;
	s10 =	smov.u32 s17  }
0x18: {  	s18 =	simm.s32 @p2 $0x0;
	s14 =	smov.u32 s11;
	[sflag:s19] =	ssyncadd.s32 @!p0 $0xFFFFC000  }
0x19: {  	s11 =	smov.u32 s18;
	s13 =	sadd.s32 $0x1, s13;
	s12 =	smov.u32 s20  }
.LBB1_1:
0x1a: {  	p0 =	sge.u32 s13, s6  }
0x1b: {  	s31 =	sadd.s32 $0xFFFFFFFF, s13;
	s17 =	sshll.u32 @!p0 s11, $0xD  }
0x1c: {  	s18 =	sxor.u32 @!p0 $0xFFFFFFFF, s13;
	s19 =	sshll.u32 @!p0 s10, $0x5;
	s20 =	sshll.u32 @!p0 s11, $0x7  }
0x1d: {  	s21 =	sshll.u32 @!p0 s10, $0x2;
	s17 =	sand.u32 @!p0 $0xC0000, s17;
	s20 =	sand.u32 @!p0 $0xE00, s20  }
0x1e: {  	s21 =	sand.u32 @!p0 $0x1E0, s21;
	s17 =	sadd.s32 @!p0 s17, s19;
	s19 =	sand.u32 @!p0 $0x1000, s19  }
0x1f: {  	s19 =	sor.u32 @!p0 s20, s19;
	s20 =	sshll.u32 @!p0 s12, $0xF;
	s17 =	sshrl.u32 @!p0 s17, $0x5  }
0x20: {  	s19 =	sor.u32 @!p0 s21, s19;
	s17 =	sand.u32 @!p0 $0x7F00, s17;
	s20 =	sadd.s32 @!p0 s7, s20  }
0x21: {  	s19 =	sshrl.u32 @!p0 s19, $0x5;
	s17 =	sadd.s32 @!p0 s17, s20;
	s20 =	sand.u32 @!p0 $0x7, s10  }
0x22: {  	s18 =	sshll.u32 @!p0 s18, $0xE;
	s17 =	sadd.s32 @!p0 s19, s17;
	s19 =	sshll.u32 @!p0 s20, $0x12  }
0x23: {  	s18 =	sand.u32 @!p0 $0x4000, s18;
	s20 =	simm.s32 @!p0 $0x10000;
	s19 =	sor.u32 @!p0 $0x400, s19  }
0x24: {  	[tilespmem:s18], [sflag:$0x1] =	stream.strided.gather @!p0 [hbm4b:s17+s19], $0x4000, s20, s19, $0x38;
	[tilespmem:$0x10100] =	vst v63  }
0x25: {  	p0 =	sge.u32 s31, s6  }
.Ltmp2:
0x26: {  	_ = 	snop;
	(pc) =	sbr.rel @p0 .LBB1_7-.Ltmp2, $1  }
0x27: {  	_ =	sdelay $0x3  }
0x28: {  	s17 =	sand.u32 $0x1, s13  }
0x29: {  	_ =	swait.ge [sflag:s5], $0x4000;
	s18 =	smul.u32 $0x10200, s17  }
0x2a: {  	[sflag:s5] =	ssyncset.done $0x0  }
0x2b: {  	[sflag:s5] =	ssyncadd.s32 $0xFFFFC000;
	s19 =	sshrl.u32 s18, $0x2  }
0x2c: {  	s18 =	sshll.u32 s17, $0xE;
	s17 =	sor.u32 $0x8000, s19;
	s19 =	simm.s32 $0x0  }
.LBB1_3:
0x2d: {  	s20 =	sshll.u32 s19, $0x5  }
0x2e: {  	s20 =	sand.u32 $0x3FFFFFE0, s20  }
0x2f: {  	s24 =	sadd.s32 s20, s18  }
0x30: {  	v0 =	vmov s24  }
0x31: {  	s31 =	sshll.u32 s19, $0x2  }
0x32: {  	p0 =	por $0x1, $0x1;
	s21 =	sor.u32 $0x4, s31;
	s22 =	sor.u32 $0x8, s31  }
0x33: {  	s23 =	sor.u32 $0xC, s31;
	s20 =	sshrl.u32 s31, $0x2;
	s21 =	sshrl.u32 s21, $0x2  }
0x34: {  	s22 =	sshrl.u32 s22, $0x2;
	s23 =	sshrl.u32 s23, $0x2;
	s24 =	simm.s32 $0x0  }
.LBB1_4:
0x35: {  	v1 =	vld.idx.msk [tilespmem:v0+s24+$0x0 ss:$0x1], $0xffff  }
0x36: {  	v2 =	vld.idx.msk [tilespmem:v0+s24+$0x1000 ss:$0x1], $0xffff;
	_ =	sdelay $0x1  }
0x37: {  	v3 =	vld.idx.msk [tilespmem:v0+s24+$0x2000 ss:$0x1], $0xffff  }
0x38: {  	v6 =	vld.idx.msk [tilespmem:v0+s24+$0x3000 ss:$0x1], $0xffff  }
0x39: {  	v17 =	vld.idx.msk [tilespmem:v0+s24+$0x10 ss:$0x1], $0xffff;
	v4 =	vshrl.u32 v1, $0x10;
	v5 =	vshrl.u32 v1, $0x8  }
0x3a: {  	v7 =	vshrl.u32 v1, $0x18;
	v1 =	vand.u32 $0xFF, v1;
	v8 =	vshrl.u32 v2, $0x10  }
0x3b: {  	v47 =	vld.idx.msk [tilespmem:v0+s24+$0x1010 ss:$0x1], $0xffff;
	v9 =	vshrl.u32 v2, $0x8;
	v10 =	vshrl.u32 v2, $0x18;
	v2 =	vand.u32 $0xFF, v2  }
0x3c: {  	v51 =	vld.idx.msk [tilespmem:v0+s24+$0x2010 ss:$0x1], $0xffff;
	v11 =	vshrl.u32 v3, $0x10;
	v12 =	vshrl.u32 v3, $0x8;
	v13 =	vshrl.u32 v3, $0x18  }
0x3d: {  	v54 =	vld.idx.msk [tilespmem:v0+s24+$0x3010 ss:$0x1], $0xffff;
	v3 =	vand.u32 $0xFF, v3;
	v14 =	vshrl.u32 v6, $0x18;
	v15 =	vshrl.u32 v6, $0x10  }
0x3e: {  	v16 =	vshrl.u32 v6, $0x8;
	v6 =	vand.u32 $0xFF, v6;
	v52 =	vshrl.u32 v17, $0x10  }
0x3f: {  	v53 =	vshrl.u32 v17, $0x8;
	v55 =	vshrl.u32 v17, $0x18;
	v56 =	vand.u32 $0xFF, v17  }
0x40: {  	v57 =	vshrl.u32 v47, $0x10;
	v58 =	vshrl.u32 v47, $0x8;
	v59 =	vshrl.u32 v47, $0x18  }
0x41: {  	v60 =	vshrl.u32 v51, $0x10;
	v61 =	vshrl.u32 v51, $0x8;
	v62 =	vshrl.u32 v51, $0x18  }
0x42: {  	s25 =	sor.u32 $0x20, s24;
	v18 =	vshrl.u32 v54, $0x18;
	v19 =	vshrl.u32 v54, $0x10;
	v20 =	vshrl.u32 v54, $0x8  }
0x43: {  	v63 =	vld.idx.msk [tilespmem:v0+s25+$0x0 ss:$0x1], $0xffff;
	v4 =	vand.u32 $0xFF, v4;
	v5 =	vand.u32 $0xFF, v5;
	v8 =	vand.u32 $0xFF, v8  }
0x44: {  	v23 =	vld.idx.msk [tilespmem:v0+s25+$0x1000 ss:$0x1], $0xffff;
	v9 =	vand.u32 $0xFF, v9;
	v11 =	vand.u32 $0xFF, v11;
	v12 =	vand.u32 $0xFF, v12  }
0x45: {  	v25 =	vld.idx.msk [tilespmem:v0+s25+$0x2000 ss:$0x1], $0xffff;
	v15 =	vand.u32 $0xFF, v15;
	v16 =	vand.u32 $0xFF, v16;
	v1 =	vpack.i.b32.b16 v3, v1  }
0x46: {  	v28 =	vld.idx.msk [tilespmem:v0+s25+$0x3000 ss:$0x1], $0xffff;
	v2 =	vpack.i.b32.b16 v6, v2;
	v49 =	vpack.i.b32.b16 v13, v7;
	v50 =	vpack.i.b32.b16 v14, v10  }
0x47: {  	v6 =	vand.u32 $0xFF, v52;
	v13 =	vand.u32 $0xFF, v58;
	v7 =	vand.u32 $0xFF, v51  }
0x48: {  	v19 =	vand.u32 $0xFF, v19;
	v20 =	vand.u32 $0xFF, v20;
	v26 =	vpack.i.b32.b16 v62, v55  }
0x49: {  	v27 =	vpack.i.b32.b16 v18, v59;
	v29 =	vshrl.u32 v63, $0x10;
	v30 =	vshrl.u32 v63, $0x8  }
0x4a: {  	v31 =	vshrl.u32 v63, $0x18;
	v32 =	vshrl.u32 v23, $0x10;
	v33 =	vshrl.u32 v23, $0x8  }
0x4b: {  	s26 =	smul.u32 $0x204, s24;
	s24 =	sor.u32 $0x30, s24;
	v34 =	vshrl.u32 v23, $0x18;
	v35 =	vand.u32 $0xFF, v25;
	v36 =	vand.u32 $0xFF, v28  }
0x4c: {  	s27 =	sand.u32 $0x60, s24;
	v37 =	vshrl.u32 v25, $0x8;
	v38 =	vshrl.u32 v28, $0x8;
	v39 =	vshrl.u32 v25, $0x18  }
0x4d: {  	v40 =	vld.idx.msk [tilespmem:v0+s27+$0x10 ss:$0x1], $0xffff;
	v41 =	vshrl.u32 v28, $0x10;
	v1 =	vpack.i.b16.b8 v2, v1;
	v2 =	vpack.i.b32.b16 v12, v5  }
0x4e: {  	v43 =	vld.idx.msk [tilespmem:v0+s27+$0x1010 ss:$0x1], $0xffff;
	v3 =	vpack.i.b32.b16 v16, v9;
	v48 =	vpack.i.b32.b16 v15, v8;
	v8 =	vand.u32 $0xFF, v53  }
0x4f: {  	v12 =	vand.u32 $0xFF, v57;
	v5 =	vand.u32 $0xFF, v47;
	v15 =	vand.u32 $0xFF, v60  }
0x50: {  	v46 =	vld.idx.msk [tilespmem:v0+s27+$0x2010 ss:$0x1], $0xffff;
	v16 =	vand.u32 $0xFF, v61;
	v9 =	vand.u32 $0xFF, v54;
	v7 =	vpack.i.b32.b16 v7, v56  }
0x51: {  	v22 =	vpack.i.b32.b16 v20, v13;
	v10 =	vand.u32 $0xFF, v29;
	v14 =	vand.u32 $0xFF, v30  }
0x52: {  	v17 =	vand.u32 $0xFF, v33;
	v20 =	vand.u32 $0xFF, v38;
	v42 =	vand.u32 $0xFF, v41  }
0x53: {  	v45 =	vpack.i.b32.b16 v39, v31;
	v47 =	vshrl.u32 v40, $0x8;
	v51 =	vshrl.u32 v43, $0x10  }
0x54: {  	v52 =	vshrl.u32 v43, $0x8;
	v53 =	vshrl.u32 v43, $0x18;
	v54 =	vand.u32 $0xFF, v43  }
0x55: {  	v55 =	vshrl.u32 v46, $0x10;
	v56 =	vshrl.u32 v46, $0x8;
	v57 =	vshrl.u32 v46, $0x18  }
0x56: {  	v58 =	vand.u32 $0xFF, v46;
	v2 =	vpack.i.b16.b8 v3, v2;
	v3 =	vpack.i.b32.b16 v11, v4  }
0x57: {  	v4 =	vpack.i.b16.b8 v50, v49;
	v5 =	vpack.i.b32.b16 v9, v5;
	v21 =	vpack.i.b32.b16 v16, v8  }
0x58: {  	s26 =	sshra.s32 s26, $0x2;
	v6 =	vpack.i.b32.b16 v15, v6;
	v24 =	vpack.i.b32.b16 v19, v12;
	v8 =	vpack.i.b16.b8 v27, v26  }
0x59: {  	s26 =	sadd.s32 s26, s17;
	v11 =	vand.u32 $0xFF, v63;
	v16 =	vand.u32 $0xFF, v32;
	v9 =	vand.u32 $0xFF, v23  }
0x5a: {  	s28 =	sadd.s32 s20, s26;
	v19 =	vand.u32 $0xFF, v37;
	v12 =	vshrl.u32 v25, $0x10;
	v17 =	vpack.i.b32.b16 v20, v17  }
0x5b: {  	s29 =	sadd.s32 s21, s26;
	[tilespmem:s28+$0x0 ss:$0x81] =	vst.msk $0xffff, v1;
	v49 =	vshrl.u32 v40, $0x18;
	v50 =	vand.u32 $0xFF, v40;
	v13 =	vand.u32 $0xFF, v51  }
0x5c: {  	s30 =	sadd.s32 s22, s26;
	s31 =	sadd.s32 s23, s26;
	s26 =	sadd.s32 $0x810, s26;
	v15 =	vand.u32 $0xFF, v52;
	v3 =	vpack.i.b16.b8 v48, v3;
	v5 =	vpack.i.b16.b8 v5, v7;
	[tilespmem:s29+$0x0 ss:$0x81] =	vst.msk $0xffff, v2  }
0x5d: {  	s25 =	smul.u32 $0x204, s25;
	s28 =	sadd.s32 s20, s26;
	v7 =	vpack.i.b16.b8 v22, v21;
	v6 =	vpack.i.b16.b8 v24, v6;
	v11 =	vpack.i.b32.b16 v35, v11;
	[tilespmem:s30+$0x0 ss:$0x81] =	vst.msk $0xffff, v3  }
0x5e: {  	v9 =	vpack.i.b32.b16 v36, v9;
	v14 =	vpack.i.b32.b16 v19, v14;
	v1 =	vand.u32 $0xFF, v12;
	[tilespmem:s28+$0x0 ss:$0x81] =	vst.msk $0xffff, v5  }
0x5f: {  	s25 =	sshra.s32 s25, $0x2;
	v2 =	vshrl.u32 v28, $0x18;
	v44 =	vpack.i.b32.b16 v42, v16;
	v48 =	vld.idx.msk [tilespmem:v0+s27+$0x3010 ss:$0x1], $0xffff;
	s29 =	sadd.s32 s21, s26;
	v16 =	vand.u32 $0xFF, v55;
	[tilespmem:s31+$0x0 ss:$0x81] =	vst.msk $0xffff, v4  }
0x60: {  	s25 =	sadd.s32 s25, s17;
	v9 =	vpack.i.b16.b8 v9, v11;
	v14 =	vpack.i.b16.b8 v17, v14;
	v1 =	vpack.i.b32.b16 v1, v10;
	s30 =	sadd.s32 s22, s26;
	[tilespmem:s29+$0x0 ss:$0x81] =	vst.msk $0xffff, v7  }
0x61: {  	v2 =	vpack.i.b32.b16 v2, v34;
	v3 =	vshrl.u32 v40, $0x10;
	v10 =	vand.u32 $0xFF, v47;
	s31 =	sadd.s32 s20, s25;
	[tilespmem:s30+$0x0 ss:$0x81] =	vst.msk $0xffff, v6  }
0x62: {  	s24 =	smul.u32 $0x204, s24;
	s26 =	sadd.s32 s23, s26;
	v17 =	vand.u32 $0xFF, v56;
	v5 =	vpack.i.b32.b16 v58, v50;
	v1 =	vpack.i.b16.b8 v44, v1;
	[tilespmem:s31+$0x0 ss:$0x81] =	vst.msk $0xffff, v9  }
0x63: {  	s27 =	sadd.s32 s21, s25;
	v2 =	vpack.i.b16.b8 v2, v45;
	v3 =	vand.u32 $0xFF, v3;
	v62 =	vpack.i.b32.b16 v17, v10;
	[tilespmem:s26+$0x0 ss:$0x81] =	vst.msk $0xffff, v8  }
0x64: {  	s24 =	sshra.s32 s24, $0x2;
	s28 =	sadd.s32 s22, s25;
	v3 =	vpack.i.b32.b16 v16, v3;
	[tilespmem:s27+$0x0 ss:$0x81] =	vst.msk $0xffff, v14;
	v61 =	vshrl.u32 v48, $0x8;
	v4 =	vand.u32 $0xFF, v48  }
0x65: {  	p1 =	por p0, p0;
	s24 =	sadd.s32 s24, s17;
	s25 =	sadd.s32 s23, s25;
	v60 =	vshrl.u32 v48, $0x10;
	[tilespmem:s28+$0x0 ss:$0x81] =	vst.msk $0xffff, v1;
	v9 =	vand.u32 $0xFF, v61;
	v4 =	vpack.i.b32.b16 v4, v54  }
.Ltmp3:
0x66: {  	s29 =	sadd.s32 s20, s24;
	v1 =	vand.u32 $0xFF, v60;
	[tilespmem:s25+$0x0 ss:$0x81] =	vst.msk $0xffff, v2;
	v2 =	vpack.i.b16.b8 v4, v5;
	v63 =	vpack.i.b32.b16 v9, v15;
	(pc) =	sbr.rel @p1 .LBB1_4-.Ltmp3, $4  }
0x67: {  	s30 =	sadd.s32 s21, s24;
	v59 =	vshrl.u32 v48, $0x18;
	v1 =	vpack.i.b32.b16 v1, v13;
	[tilespmem:s29+$0x0 ss:$0x81] =	vst.msk $0xffff, v2;
	v2 =	vpack.i.b16.b8 v63, v62  }
0x68: {  	s31 =	sadd.s32 s22, s24;
	v1 =	vpack.i.b16.b8 v1, v3;
	v3 =	vpack.i.b32.b16 v59, v53;
	[tilespmem:s30+$0x0 ss:$0x81] =	vst.msk $0xffff, v2;
	v2 =	vpack.i.b32.b16 v57, v49  }
0x69: {  	s24 =	sadd.s32 s23, s24;
	[tilespmem:s31+$0x0 ss:$0x81] =	vst.msk $0xffff, v1;
	v1 =	vpack.i.b16.b8 v3, v2  }
0x6a: {  	p0 =	por $0x0, $0x0;
	[tilespmem:s24+$0x0 ss:$0x81] =	vst.msk $0xffff, v1;
	s24 =	simm.s32 $0x40  }
0x6b: {  	p0 =	slt.u32 s19, $0x7C  }
.Ltmp4:
0x6c: {  	_ = 	snop;
	(pc) =	sbr.rel @p0 .LBB1_3-.Ltmp4, $3  }
0x6d: {  	_ =	sdelay $0x1  }
0x6e: {  	s20 =	sadd.s32 $0x4, s19  }
0x6f: {  	s19 =	smov.u32 s20  }
0x70: {  	s16 =	sshll.u32 s16, $0x7;
	s18 =	sshll.u32 s14, $0x5  }
0x71: {  	s28 =	sshll.u32 s14, $0x2;
	s19 =	sand.u32 $0x1000, s16;
	s18 =	sand.u32 $0x1000, s18  }
0x72: {  	s15 =	sshll.u32 s15, $0x8;
	s16 =	sand.u32 $0xE00, s16;
	s18 =	sadd.s32 s19, s18  }
0x73: {  	s30 =	sshrl.u32 s14, $0x3;
	s29 =	sand.u32 $0x180, s28;
	s16 =	sor.u32 s16, s18  }
.Ltmp5:
0x74: {  	s31 =	sand.u32 $0x7, s14;
	s16 =	sor.u32 s29, s16;
	(pc) =	sbr.rel .LBB1_7-.Ltmp5, $4  }
0x75: {  	s15 =	sadd.s32 s2, s15;
	s18 =	sand.u32 $0x3, s30;
	s16 =	sshrl.u32 s16, $0x5  }
0x76: {  	s14 =	sshll.u32 s31, $0x12;
	s15 =	sadd.s32 s18, s15;
	s16 =	sand.u32 $0xFC, s16  }
0x77: {  	s14 =	sor.u32 $0x80, s14;
	s15 =	sadd.s32 s16, s15  }
0x78: {  	[hbm4b:s15+s14] =	stream.strided.scatter [tilespmem:s17], [sflag:$0x2], $0x4000, s9, s14, $0x20;
	[tilespmem:$0x10100] =	vst v63  }
.LBB1_8:
0x79: {  	_ =	sfence.sel $0x180000  }
0x7a: {  	s1 =	simm.s32 $0x1;
	[bflag:$0x0] =	sbarrier.arrive $0xFFFF  }
0x7b: {  	s31 =	simm.s32 $0x2;
	[sflag:s1] =	ssyncpa.u1 $0x1  }
0x7c: {  	[sflag:s31] =	ssyncpa.u1 $0x1  }
0x7d: {  	p0 =	sne.s32 s0, $0x0;
	_ =	strace $0x90000047  }
0x7e: {  	s0 =	sadd.s32 @!p0 $0x100000, s4;
	[bflag:$0x2] =	sbarrier.arrive $0xFFFF  }
0x7f: {  	[sflag:s0] =	ssyncadd.tile.s32 @!p0 $0x1;
	_ =	shalt  }
.Lfunc_end1:
_tile_overlayer_lowered:
.L_overlay_start_2:
0x80: {  	(tag) =	ssettag $0x2  }
0x81: {  	s0 =	rddreg [dreg:$0x0];
	s2 =	stileid.u32  }
0x82: {  	s1 =	rddreg [dreg:$0x1];
	p0 =	sne.s32 s2, $0x0  }
0x83: {  	s3 =	rddreg [dreg:$0x2];
	[bflag:$0x3] =	sbarrier.arrive $0xFFFF;
	s2 =	simm.s32 @!p0 $0x1C01  }
0x84: {  	[timem:s3], [sflag:s2] =	dma.local @!p0 [hbm:s0], s1  }
0x85: {  	s0 =	simm.s32 @!p0 $0x1  }
0x86: {  	_ =	swait.ge @!p0 [sflag:s0], s1  }
0x87: {  	s1 =	ssub.s32 @!p0 $0x0, s1;
	[sflag:s0] =	ssyncset.done @!p0 $0x0  }
0x88: {  	[sflag:s0] =	ssyncadd.s32 @!p0 s1  }
0x89: {  	[bflag:$0x3] =	sbarrier.arrive $0xFFFF  }
0x8a: {  	_ =	shalt  }

</sc_bundles>
